<compile_context>
chip_gen: v7x
topology: tpu7x:2x2x1
jax: 0.10.2.dev20260603
libtpu: 0.0.44.dev20260713+nightly
codegen_flags: <defaults>
</compile_context>

<pallas_src>
import functools

import jax
import jax.numpy as jnp
from jax import lax
from jax.experimental import pallas as pl
from jax.experimental.pallas import tpu as pltpu
from jax.experimental.pallas import tpu_sc as plsc

_NC = 2
_NS = 16
_L = 16
_NW = _NC * _NS

_EXP_MASK = 0x7F800000
_MANT_MSB = 0x00400000
_SIGN_MASK = -2147483648
_ABS_MASK = 0x7FFFFFFF
_C_MIN = 2.0 ** -15
_C_SNAP = 2.0 ** -16

_COLS = 768
_VPR = _COLS // _L


def _quantize_vec(xv, inv_alpha, alpha_pos):
    xb = plsc.bitcast(xv, jnp.int32)
    sbits = xb & _SIGN_MASK
    v = plsc.bitcast(xb & _ABS_MASK, jnp.float32) * inv_alpha
    t = jnp.maximum(jnp.minimum(v, 1.0), _C_MIN)
    B_bits = plsc.bitcast(t, jnp.int32) & _EXP_MASK
    B = plsc.bitcast(B_bits, jnp.float32)
    r = t - B
    rb = plsc.bitcast(r, jnp.int32)
    c_bits = (rb + _MANT_MSB) & _EXP_MASK
    c = jnp.maximum(plsc.bitcast(c_bits, jnp.float32), _C_MIN)
    c = jnp.where(r < _C_SNAP, 0.0, c)
    q = B + c
    q = jnp.where(v < _C_SNAP, 0.0, q)
    res = q * alpha_pos
    return plsc.bitcast(plsc.bitcast(res, jnp.int32) | sbits, jnp.float32)


def _sc_quantize(x2d, alpha_vec, rows_per_w):
    mesh = plsc.VectorSubcoreMesh(core_axis_name="c", subcore_axis_name="s")
    nrows = x2d.shape[0]
    nvec = rows_per_w * _VPR

    @functools.partial(
        pl.kernel,
        out_type=jax.ShapeDtypeStruct((nrows, _COLS), jnp.float32),
        mesh=mesh,
        scratch_types=[
            pltpu.VMEM((rows_per_w, _COLS), jnp.float32),
            pltpu.VMEM((rows_per_w, _COLS), jnp.float32),
            pltpu.VMEM((_L,), jnp.float32),
            pltpu.SemaphoreType.DMA,
            pltpu.SemaphoreType.DMA,
        ],
        compiler_params=pltpu.CompilerParams(needs_layout_passes=False),
    )
    def body(x_hbm, alpha_hbm, out_hbm, x_v, out_v, a_v, sem_in, sem_out):
        wid = lax.axis_index("s") * _NC + lax.axis_index("c")
        r0 = wid * rows_per_w
        nch = 4
        rpc = rows_per_w // nch
        vpc = nvec // nch
        pltpu.sync_copy(alpha_hbm, a_v)
        for c in range(nch):
            pltpu.async_copy(
                x_hbm.at[pl.ds(r0 + c * rpc, rpc), :],
                x_v.at[pl.ds(c * rpc, rpc), :], sem_in)
        alpha_pos = jnp.abs(a_v[...]) + 1e-5
        inv_alpha = 1.0 / alpha_pos

        def chunk(c, _):
            pltpu.make_async_copy(
                x_hbm.at[pl.ds(r0, rpc), :],
                x_v.at[pl.ds(0, rpc), :], sem_in).wait()

            @plsc.parallel_loop(0, vpc, 1, unroll=4)
            def step(i):
                row = c * rpc + ((i * 1366) >> 16)
                off = (i - ((i * 1366) >> 16) * _VPR) * _L
                out_v[row, pl.ds(off, _L)] = _quantize_vec(
                    x_v[row, pl.ds(off, _L)], inv_alpha, alpha_pos)

            pltpu.async_copy(
                out_v.at[pl.ds(c * rpc, rpc), :],
                out_hbm.at[pl.ds(r0 + c * rpc, rpc), :], sem_out)
            return _

        lax.fori_loop(0, nch, chunk, 0)
        for c in range(nch):
            pltpu.make_async_copy(
                out_v.at[pl.ds(0, rpc), :],
                out_hbm.at[pl.ds(r0, rpc), :], sem_out).wait()

    return body(x2d, alpha_vec)


def kernel(x, alpha, codebook):
    shape = x.shape
    nrows = x.size // _COLS
    x2d = x.reshape(nrows, _COLS)
    alpha_vec = jnp.broadcast_to(alpha.reshape(1), (_L,))
    out = _sc_quantize(x2d, alpha_vec, nrows // _NW)
    return out.reshape(shape)

# --- scband reference (transcript-rebuilt; emitter-appended) ---
"""Pipeline reference for scband-apo-tquantizer-6940667150461 (READ-ONLY COPY).

The authoritative reference and input builder live on the scoring server;
editing this copy changes nothing except your own understanding.
"""

import jax, jax.numpy as jnp
import numpy as np
import itertools


def _build_codebook(bit_width=8, apot_m=2):
    apot_k = bit_width // apot_m
    base = [0.0] + [2.0 ** (-i) for i in range(2 ** apot_k - 1)]
    combos = itertools.product(base, repeat=apot_m)
    levels = np.unique(np.array([sum(c) for c in combos], dtype=np.float64))
    levels = levels / levels.max()
    pos = levels[levels > 0.0]
    cb = np.sort(np.concatenate([-pos, np.array([0.0]), pos]))
    return jnp.asarray(cb, dtype=jnp.float32)


def setup_inputs(seed: int = 0) -> dict:
    key = jax.random.key(seed)
    x = jax.random.normal(key, (4, 256, 768), dtype=jnp.float32)
    codebook = _build_codebook(8, 2)
    # Mirrors the module's lazy init on first forward: alpha <- clamp(max|x|, min=1e-4)
    alpha = jnp.maximum(jnp.max(jnp.abs(x)), 1e-4).astype(jnp.float32)
    return {"x": x, "alpha": alpha, "codebook": codebook}


def reference(x, alpha, codebook):
    # weight_norm=False and eval-style path; alpha already initialized in setup_inputs
    alpha_pos = jnp.abs(alpha) + 1e-5
    x_norm = jnp.clip(x / alpha_pos, -1.0, 1.0)
    shape = x_norm.shape
    x_flat = x_norm.reshape(-1, 1)
    cb = codebook.reshape(1, -1)
    idx = jnp.argmin(jnp.abs(x_flat - cb), axis=1)
    x_q_norm = jnp.take(codebook, idx, axis=0).reshape(shape)
    # straight-through estimator
    x_q_norm = jax.lax.stop_gradient(x_q_norm - x_norm) + x_norm
    return x_q_norm * alpha_pos

if __name__ == "__main__":
    import jax
    _d = setup_inputs()
    print(jax.jit(kernel)(*tuple(_d.values())))

</pallas_src>

<mosaic_0001>
#map = affine_map<(d0, d1) -> (0, 0)>
#map1 = affine_map<(d0, d1) -> (0)>
module attributes {stable_mosaic.version = 14 : i64} {
  func.func @body(%arg0: i32, %arg1: i32, %arg2: memref<1024x768xf32, #tpu.memory_space<hbm>>, %arg3: memref<16xf32, #tpu.memory_space<hbm>>, %arg4: memref<1024x768xf32, #tpu.memory_space<hbm>>, %arg5: memref<32x768xf32, #tpu.memory_space<vmem>>, %arg6: memref<32x768xf32, #tpu.memory_space<vmem>>, %arg7: memref<16xf32, #tpu.memory_space<vmem>>, %arg8: memref<!tpu.dma_semaphore, #tpu.memory_space<semaphore_mem>>, %arg9: memref<!tpu.dma_semaphore, #tpu.memory_space<semaphore_mem>>) attributes {dimension_semantics = [#tpu.dimension_semantics<core_parallel>, #tpu.dimension_semantics<subcore_parallel>], iteration_bounds = array<i64: 2, 16>, scalar_prefetch = 0 : i64, scratch_operands = 5 : i64, tpu.core_type = #tpu.core_type<sc_vector_subcore>, window_params = [{transform_indices = #map}, {transform_indices = #map1}, {transform_indices = #map}]} {
    %mul3A = arith.constant 2 : i32
    %mul3A_0 = arith.muli %arg1, %mul3A : i32
    %add3A = arith.addi %mul3A_0, %arg0 : i32
    %mul3A_1 = arith.constant 32 : i32
    %mul3A_2 = arith.muli %add3A, %mul3A_1 : i32
    "tpu.region"() ({
      %run_scoped3A = tpu.sem_alloc : memref<!tpu.dma_semaphore, #tpu.memory_space<semaphore_mem>>
      tpu.enqueue_dma source(%arg3 : memref<16xf32, #tpu.memory_space<hbm>>) target(%arg7 : memref<16xf32, #tpu.memory_space<vmem>>) target_semaphore(%run_scoped3A : memref<!tpu.dma_semaphore, #tpu.memory_space<semaphore_mem>>)
      tpu.wait_dma2 semaphore(%run_scoped3A : memref<!tpu.dma_semaphore, #tpu.memory_space<semaphore_mem>>) src(%arg3 : memref<16xf32, #tpu.memory_space<hbm>>) dst(%arg7 : memref<16xf32, #tpu.memory_space<vmem>>)
      tpu.yield
    }) : () -> ()
    %add3A_3 = arith.constant 0 : i32
    %add3A_4 = arith.addi %mul3A_2, %add3A_3 : i32
    %dma_start3A = arith.constant 0 : i32
    %dma_start3A_5 = arith.constant 0 : i32
    %dma_start3A_6 = tpu.memref_slice %arg5[%dma_start3A, %dma_start3A_5] : memref<32x768xf32, #tpu.memory_space<vmem>> -> memref<8x768xf32, #tpu.memory_space<vmem>>
    %dma_start3A_7 = arith.constant 0 : i32
    %dma_start3A_8 = tpu.memref_slice %arg2[%add3A_4, %dma_start3A_7] : memref<1024x768xf32, #tpu.memory_space<hbm>> -> memref<8x768xf32, #tpu.memory_space<hbm>>
    %dma_start3A_9 = arith.constant 0 : i32
    %dma_start3A_10 = arith.constant 0 : i32
    %dma_start3A_11 = tpu.memref_slice %arg5[%dma_start3A_9, %dma_start3A_10] : memref<32x768xf32, #tpu.memory_space<vmem>> -> memref<8x768xf32, #tpu.memory_space<vmem>>
    %dma_start3A_12 = arith.constant 0 : i32
    %dma_start3A_13 = tpu.memref_slice %arg2[%add3A_4, %dma_start3A_12] : memref<1024x768xf32, #tpu.memory_space<hbm>> -> memref<8x768xf32, #tpu.memory_space<hbm>>
    tpu.enqueue_dma source(%dma_start3A_13 : memref<8x768xf32, #tpu.memory_space<hbm>>) target(%dma_start3A_11 : memref<8x768xf32, #tpu.memory_space<vmem>>) target_semaphore(%arg8 : memref<!tpu.dma_semaphore, #tpu.memory_space<semaphore_mem>>)
    %add3A_14 = arith.constant 8 : i32
    %add3A_15 = arith.addi %mul3A_2, %add3A_14 : i32
    %dma_start3A_16 = arith.constant 8 : i32
    %dma_start3A_17 = arith.constant 0 : i32
    %dma_start3A_18 = tpu.memref_slice %arg5[%dma_start3A_16, %dma_start3A_17] : memref<32x768xf32, #tpu.memory_space<vmem>> -> memref<8x768xf32, #tpu.memory_space<vmem>>
    %dma_start3A_19 = arith.constant 0 : i32
    %dma_start3A_20 = tpu.memref_slice %arg2[%add3A_15, %dma_start3A_19] : memref<1024x768xf32, #tpu.memory_space<hbm>> -> memref<8x768xf32, #tpu.memory_space<hbm>>
    %dma_start3A_21 = arith.constant 8 : i32
    %dma_start3A_22 = arith.constant 0 : i32
    %dma_start3A_23 = tpu.memref_slice %arg5[%dma_start3A_21, %dma_start3A_22] : memref<32x768xf32, #tpu.memory_space<vmem>> -> memref<8x768xf32, #tpu.memory_space<vmem>>
    %dma_start3A_24 = arith.constant 0 : i32
    %dma_start3A_25 = tpu.memref_slice %arg2[%add3A_15, %dma_start3A_24] : memref<1024x768xf32, #tpu.memory_space<hbm>> -> memref<8x768xf32, #tpu.memory_space<hbm>>
    tpu.enqueue_dma source(%dma_start3A_25 : memref<8x768xf32, #tpu.memory_space<hbm>>) target(%dma_start3A_23 : memref<8x768xf32, #tpu.memory_space<vmem>>) target_semaphore(%arg8 : memref<!tpu.dma_semaphore, #tpu.memory_space<semaphore_mem>>)
    %add3A_26 = arith.constant 16 : i32
    %add3A_27 = arith.addi %mul3A_2, %add3A_26 : i32
    %dma_start3A_28 = arith.constant 16 : i32
    %dma_start3A_29 = arith.constant 0 : i32
    %dma_start3A_30 = tpu.memref_slice %arg5[%dma_start3A_28, %dma_start3A_29] : memref<32x768xf32, #tpu.memory_space<vmem>> -> memref<8x768xf32, #tpu.memory_space<vmem>>
    %dma_start3A_31 = arith.constant 0 : i32
    %dma_start3A_32 = tpu.memref_slice %arg2[%add3A_27, %dma_start3A_31] : memref<1024x768xf32, #tpu.memory_space<hbm>> -> memref<8x768xf32, #tpu.memory_space<hbm>>
    %dma_start3A_33 = arith.constant 16 : i32
    %dma_start3A_34 = arith.constant 0 : i32
    %dma_start3A_35 = tpu.memref_slice %arg5[%dma_start3A_33, %dma_start3A_34] : memref<32x768xf32, #tpu.memory_space<vmem>> -> memref<8x768xf32, #tpu.memory_space<vmem>>
    %dma_start3A_36 = arith.constant 0 : i32
    %dma_start3A_37 = tpu.memref_slice %arg2[%add3A_27, %dma_start3A_36] : memref<1024x768xf32, #tpu.memory_space<hbm>> -> memref<8x768xf32, #tpu.memory_space<hbm>>
    tpu.enqueue_dma source(%dma_start3A_37 : memref<8x768xf32, #tpu.memory_space<hbm>>) target(%dma_start3A_35 : memref<8x768xf32, #tpu.memory_space<vmem>>) target_semaphore(%arg8 : memref<!tpu.dma_semaphore, #tpu.memory_space<semaphore_mem>>)
    %add3A_38 = arith.constant 24 : i32
    %add3A_39 = arith.addi %mul3A_2, %add3A_38 : i32
    %dma_start3A_40 = arith.constant 24 : i32
    %dma_start3A_41 = arith.constant 0 : i32
    %dma_start3A_42 = tpu.memref_slice %arg5[%dma_start3A_40, %dma_start3A_41] : memref<32x768xf32, #tpu.memory_space<vmem>> -> memref<8x768xf32, #tpu.memory_space<vmem>>
    %dma_start3A_43 = arith.constant 0 : i32
    %dma_start3A_44 = tpu.memref_slice %arg2[%add3A_39, %dma_start3A_43] : memref<1024x768xf32, #tpu.memory_space<hbm>> -> memref<8x768xf32, #tpu.memory_space<hbm>>
    %dma_start3A_45 = arith.constant 24 : i32
    %dma_start3A_46 = arith.constant 0 : i32
    %dma_start3A_47 = tpu.memref_slice %arg5[%dma_start3A_45, %dma_start3A_46] : memref<32x768xf32, #tpu.memory_space<vmem>> -> memref<8x768xf32, #tpu.memory_space<vmem>>
    %dma_start3A_48 = arith.constant 0 : i32
    %dma_start3A_49 = tpu.memref_slice %arg2[%add3A_39, %dma_start3A_48] : memref<1024x768xf32, #tpu.memory_space<hbm>> -> memref<8x768xf32, #tpu.memory_space<hbm>>
    tpu.enqueue_dma source(%dma_start3A_49 : memref<8x768xf32, #tpu.memory_space<hbm>>) target(%dma_start3A_47 : memref<8x768xf32, #tpu.memory_space<vmem>>) target_semaphore(%arg8 : memref<!tpu.dma_semaphore, #tpu.memory_space<semaphore_mem>>)
    %get3A = arith.constant 0 : index
    %get3A_50 = tpu.vector_load %arg7[%get3A] {strides = array<i32>} : memref<16xf32, #tpu.memory_space<vmem>>, vector<16xf32>,
    %abs3A = math.absf %get3A_50 : vector<16xf32>
    %add3A_51 = arith.constant 9.99999974E-6 : f32
    %add3A_52 = vector.broadcast %add3A_51 : f32 to vector<16xf32>
    %add3A_53 = arith.addf %abs3A, %add3A_52 : vector<16xf32>
    %div3A = arith.constant 1.000000e+00 : f32
    %div3A_54 = vector.broadcast %div3A : f32 to vector<16xf32>
    %div3A_55 = arith.divf %div3A_54, %add3A_53 : vector<16xf32>
    %scan3A = arith.constant 0 : i32
    %scan3A_56 = arith.constant 0 : i32
    %scan3A_57 = arith.constant 4 : i32
    %scan3A_58 = arith.addi %scan3A_56, %scan3A_57 : i32
    %scan3A_59 = arith.constant 1 : i32
    scf.for %scan3A_100 = %scan3A_56 to %scan3A_58 step %scan3A_59  : i32 {
      %dma_wait3A_101 = arith.constant 0 : i32
      %dma_wait3A_102 = arith.constant 0 : i32
      %dma_wait3A_103 = tpu.memref_slice %arg5[%dma_wait3A_101, %dma_wait3A_102] : memref<32x768xf32, #tpu.memory_space<vmem>> -> memref<8x768xf32, #tpu.memory_space<vmem>>
      %dma_wait3A_104 = arith.constant 0 : i32
      %dma_wait3A_105 = tpu.memref_slice %arg2[%mul3A_2, %dma_wait3A_104] : memref<1024x768xf32, #tpu.memory_space<hbm>> -> memref<8x768xf32, #tpu.memory_space<hbm>>
      %dma_wait3A_106 = arith.constant 0 : i32
      %dma_wait3A_107 = arith.constant 0 : i32
      %dma_wait3A_108 = tpu.memref_slice %arg5[%dma_wait3A_106, %dma_wait3A_107] : memref<32x768xf32, #tpu.memory_space<vmem>> -> memref<8x768xf32, #tpu.memory_space<vmem>>
      %dma_wait3A_109 = arith.constant 0 : i32
      %dma_wait3A_110 = tpu.memref_slice %arg2[%mul3A_2, %dma_wait3A_109] : memref<1024x768xf32, #tpu.memory_space<hbm>> -> memref<8x768xf32, #tpu.memory_space<hbm>>
      tpu.wait_dma2 semaphore(%arg8 : memref<!tpu.dma_semaphore, #tpu.memory_space<semaphore_mem>>) src(%dma_wait3A_110 : memref<8x768xf32, #tpu.memory_space<hbm>>) dst(%dma_wait3A_108 : memref<8x768xf32, #tpu.memory_space<vmem>>)
      %parallel_loop3A = arith.constant 0 : i32
      %parallel_loop3A_111 = arith.constant 384 : i32
      %parallel_loop3A_112 = arith.constant 1 : i32
      scf.for %parallel_loop3A_126 = %parallel_loop3A to %parallel_loop3A_111 step %parallel_loop3A_112  : i32 {
        %parallel_loop3A_127 = arith.constant 8 : i32
        %parallel_loop3A_128 = arith.muli %scan3A_100, %parallel_loop3A_127 : i32
        %parallel_loop3A_129 = arith.constant 1366 : i32
        %parallel_loop3A_130 = arith.muli %parallel_loop3A_126, %parallel_loop3A_129 : i32
        %parallel_loop3A_131 = arith.constant 16 : i32
        %parallel_loop3A_132 = arith.shrsi %parallel_loop3A_130, %parallel_loop3A_131 : i32
        %parallel_loop3A_133 = arith.addi %parallel_loop3A_128, %parallel_loop3A_132 : i32
        %parallel_loop3A_134 = arith.constant 1366 : i32
        %parallel_loop3A_135 = arith.muli %parallel_loop3A_126, %parallel_loop3A_134 : i32
        %parallel_loop3A_136 = arith.constant 16 : i32
        %parallel_loop3A_137 = arith.shrsi %parallel_loop3A_135, %parallel_loop3A_136 : i32
        %parallel_loop3A_138 = arith.constant 48 : i32
        %parallel_loop3A_139 = arith.muli %parallel_loop3A_137, %parallel_loop3A_138 : i32
        %parallel_loop3A_140 = arith.subi %parallel_loop3A_126, %parallel_loop3A_139 : i32
        %parallel_loop3A_141 = arith.constant 16 : i32
        %parallel_loop3A_142 = arith.muli %parallel_loop3A_140, %parallel_loop3A_141 : i32
        %parallel_loop3A_143 = arith.index_cast %parallel_loop3A_133 : i32 to index
        %parallel_loop3A_144 = arith.index_cast %parallel_loop3A_142 : i32 to index
        %parallel_loop3A_145 = tpu.vector_load %arg5[%parallel_loop3A_143, %parallel_loop3A_144] {strides = array<i32>} : memref<32x768xf32, #tpu.memory_space<vmem>>, vector<16xf32>,
        %parallel_loop3A_146 = vector.bitcast %parallel_loop3A_145 : vector<16xf32> to vector<16xi32>
        %parallel_loop3A_147 = arith.constant -2147483648 : i32
        %parallel_loop3A_148 = vector.broadcast %parallel_loop3A_147 : i32 to vector<16xi32>
        %parallel_loop3A_149 = arith.andi %parallel_loop3A_146, %parallel_loop3A_148 : vector<16xi32>
        %parallel_loop3A_150 = arith.constant 2147483647 : i32
        %parallel_loop3A_151 = vector.broadcast %parallel_loop3A_150 : i32 to vector<16xi32>
        %parallel_loop3A_152 = arith.andi %parallel_loop3A_146, %parallel_loop3A_151 : vector<16xi32>
        %parallel_loop3A_153 = vector.bitcast %parallel_loop3A_152 : vector<16xi32> to vector<16xf32>
        %parallel_loop3A_154 = arith.mulf %parallel_loop3A_153, %div3A_55 : vector<16xf32>
        %parallel_loop3A_155 = arith.constant 1.000000e+00 : f32
        %parallel_loop3A_156 = vector.broadcast %parallel_loop3A_155 : f32 to vector<16xf32>
        %parallel_loop3A_157 = arith.minimumf %parallel_loop3A_154, %parallel_loop3A_156 : vector<16xf32>
        %parallel_loop3A_158 = arith.constant 3.05175781E-5 : f32
        %parallel_loop3A_159 = vector.broadcast %parallel_loop3A_158 : f32 to vector<16xf32>
        %parallel_loop3A_160 = arith.maximumf %parallel_loop3A_157, %parallel_loop3A_159 : vector<16xf32>
        %parallel_loop3A_161 = vector.bitcast %parallel_loop3A_160 : vector<16xf32> to vector<16xi32>
        %parallel_loop3A_162 = arith.constant 2139095040 : i32
        %parallel_loop3A_163 = vector.broadcast %parallel_loop3A_162 : i32 to vector<16xi32>
        %parallel_loop3A_164 = arith.andi %parallel_loop3A_161, %parallel_loop3A_163 : vector<16xi32>
        %parallel_loop3A_165 = vector.bitcast %parallel_loop3A_164 : vector<16xi32> to vector<16xf32>
        %parallel_loop3A_166 = arith.subf %parallel_loop3A_160, %parallel_loop3A_165 : vector<16xf32>
        %parallel_loop3A_167 = vector.bitcast %parallel_loop3A_166 : vector<16xf32> to vector<16xi32>
        %parallel_loop3A_168 = arith.constant 4194304 : i32
        %parallel_loop3A_169 = vector.broadcast %parallel_loop3A_168 : i32 to vector<16xi32>
        %parallel_loop3A_170 = arith.addi %parallel_loop3A_167, %parallel_loop3A_169 : vector<16xi32>
        %parallel_loop3A_171 = arith.constant 2139095040 : i32
        %parallel_loop3A_172 = vector.broadcast %parallel_loop3A_171 : i32 to vector<16xi32>
        %parallel_loop3A_173 = arith.andi %parallel_loop3A_170, %parallel_loop3A_172 : vector<16xi32>
        %parallel_loop3A_174 = vector.bitcast %parallel_loop3A_173 : vector<16xi32> to vector<16xf32>
        %parallel_loop3A_175 = arith.constant 3.05175781E-5 : f32
        %parallel_loop3A_176 = vector.broadcast %parallel_loop3A_175 : f32 to vector<16xf32>
        %parallel_loop3A_177 = arith.maximumf %parallel_loop3A_174, %parallel_loop3A_176 : vector<16xf32>
        %parallel_loop3A_178 = arith.constant 1.52587891E-5 : f32
        %parallel_loop3A_179 = vector.broadcast %parallel_loop3A_178 : f32 to vector<16xf32>
        %parallel_loop3A_180 = arith.cmpf olt, %parallel_loop3A_166, %parallel_loop3A_179 : vector<16xf32>
        %parallel_loop3A_181 = arith.constant 0.000000e+00 : f32
        %parallel_loop3A_182 = vector.broadcast %parallel_loop3A_181 : f32 to vector<16xf32>
        %parallel_loop3A_183 = arith.select %parallel_loop3A_180, %parallel_loop3A_182, %parallel_loop3A_177 : vector<16xi1>, vector<16xf32>
        %parallel_loop3A_184 = arith.addf %parallel_loop3A_165, %parallel_loop3A_183 : vector<16xf32>
        %parallel_loop3A_185 = arith.constant 1.52587891E-5 : f32
        %parallel_loop3A_186 = vector.broadcast %parallel_loop3A_185 : f32 to vector<16xf32>
        %parallel_loop3A_187 = arith.cmpf olt, %parallel_loop3A_154, %parallel_loop3A_186 : vector<16xf32>
        %parallel_loop3A_188 = arith.constant 0.000000e+00 : f32
        %parallel_loop3A_189 = vector.broadcast %parallel_loop3A_188 : f32 to vector<16xf32>
        %parallel_loop3A_190 = arith.select %parallel_loop3A_187, %parallel_loop3A_189, %parallel_loop3A_184 : vector<16xi1>, vector<16xf32>
        %parallel_loop3A_191 = arith.mulf %parallel_loop3A_190, %add3A_53 : vector<16xf32>
        %parallel_loop3A_192 = vector.bitcast %parallel_loop3A_191 : vector<16xf32> to vector<16xi32>
        %parallel_loop3A_193 = arith.ori %parallel_loop3A_192, %parallel_loop3A_149 : vector<16xi32>
        %parallel_loop3A_194 = vector.bitcast %parallel_loop3A_193 : vector<16xi32> to vector<16xf32>
        %parallel_loop3A_195 = arith.index_cast %parallel_loop3A_133 : i32 to index
        %parallel_loop3A_196 = arith.index_cast %parallel_loop3A_142 : i32 to index
        %parallel_loop3A_197 = tpu.vector_load %arg6[%parallel_loop3A_195, %parallel_loop3A_196] {strides = array<i32>} : memref<32x768xf32, #tpu.memory_space<vmem>>, vector<16xf32>,
        tpu.vector_store %arg6[%parallel_loop3A_195, %parallel_loop3A_196], %parallel_loop3A_194 {strides = array<i32>} : memref<32x768xf32, #tpu.memory_space<vmem>>, vector<16xf32>,
      } {sc.loop_unroll_factor = 4 : i64, sc.parallel_access}
      %mul3A_113 = arith.constant 8 : i32
      %mul3A_114 = arith.muli %scan3A_100, %mul3A_113 : i32
      %mul3A_115 = arith.constant 8 : i32
      %mul3A_116 = arith.muli %scan3A_100, %mul3A_115 : i32
      %add3A_117 = arith.addi %mul3A_2, %mul3A_116 : i32
      %dma_start3A_118 = arith.constant 0 : i32
      %dma_start3A_119 = tpu.memref_slice %arg6[%mul3A_114, %dma_start3A_118] : memref<32x768xf32, #tpu.memory_space<vmem>> -> memref<8x768xf32, #tpu.memory_space<vmem>>
      %dma_start3A_120 = arith.constant 0 : i32
      %dma_start3A_121 = tpu.memref_slice %arg4[%add3A_117, %dma_start3A_120] : memref<1024x768xf32, #tpu.memory_space<hbm>> -> memref<8x768xf32, #tpu.memory_space<hbm>>
      %dma_start3A_122 = arith.constant 0 : i32
      %dma_start3A_123 = tpu.memref_slice %arg4[%add3A_117, %dma_start3A_122] : memref<1024x768xf32, #tpu.memory_space<hbm>> -> memref<8x768xf32, #tpu.memory_space<hbm>>
      %dma_start3A_124 = arith.constant 0 : i32
      %dma_start3A_125 = tpu.memref_slice %arg6[%mul3A_114, %dma_start3A_124] : memref<32x768xf32, #tpu.memory_space<vmem>> -> memref<8x768xf32, #tpu.memory_space<vmem>>
      tpu.enqueue_dma source(%dma_start3A_125 : memref<8x768xf32, #tpu.memory_space<vmem>>) target(%dma_start3A_123 : memref<8x768xf32, #tpu.memory_space<hbm>>) target_semaphore(%arg9 : memref<!tpu.dma_semaphore, #tpu.memory_space<semaphore_mem>>)
    }
    %scan3A_60 = arith.constant 4 : i32
    %dma_wait3A = arith.constant 0 : i32
    %dma_wait3A_61 = arith.constant 0 : i32
    %dma_wait3A_62 = tpu.memref_slice %arg6[%dma_wait3A, %dma_wait3A_61] : memref<32x768xf32, #tpu.memory_space<vmem>> -> memref<8x768xf32, #tpu.memory_space<vmem>>
    %dma_wait3A_63 = arith.constant 0 : i32
    %dma_wait3A_64 = tpu.memref_slice %arg4[%mul3A_2, %dma_wait3A_63] : memref<1024x768xf32, #tpu.memory_space<hbm>> -> memref<8x768xf32, #tpu.memory_space<hbm>>
    %dma_wait3A_65 = arith.constant 0 : i32
    %dma_wait3A_66 = tpu.memref_slice %arg4[%mul3A_2, %dma_wait3A_65] : memref<1024x768xf32, #tpu.memory_space<hbm>> -> memref<8x768xf32, #tpu.memory_space<hbm>>
    %dma_wait3A_67 = arith.constant 0 : i32
    %dma_wait3A_68 = arith.constant 0 : i32
    %dma_wait3A_69 = tpu.memref_slice %arg6[%dma_wait3A_67, %dma_wait3A_68] : memref<32x768xf32, #tpu.memory_space<vmem>> -> memref<8x768xf32, #tpu.memory_space<vmem>>
    tpu.wait_dma2 semaphore(%arg9 : memref<!tpu.dma_semaphore, #tpu.memory_space<semaphore_mem>>) src(%dma_wait3A_69 : memref<8x768xf32, #tpu.memory_space<vmem>>) dst(%dma_wait3A_66 : memref<8x768xf32, #tpu.memory_space<hbm>>)
    %dma_wait3A_70 = arith.constant 0 : i32
    %dma_wait3A_71 = arith.constant 0 : i32
    %dma_wait3A_72 = tpu.memref_slice %arg6[%dma_wait3A_70, %dma_wait3A_71] : memref<32x768xf32, #tpu.memory_space<vmem>> -> memref<8x768xf32, #tpu.memory_space<vmem>>
    %dma_wait3A_73 = arith.constant 0 : i32
    %dma_wait3A_74 = tpu.memref_slice %arg4[%mul3A_2, %dma_wait3A_73] : memref<1024x768xf32, #tpu.memory_space<hbm>> -> memref<8x768xf32, #tpu.memory_space<hbm>>
    %dma_wait3A_75 = arith.constant 0 : i32
    %dma_wait3A_76 = tpu.memref_slice %arg4[%mul3A_2, %dma_wait3A_75] : memref<1024x768xf32, #tpu.memory_space<hbm>> -> memref<8x768xf32, #tpu.memory_space<hbm>>
    %dma_wait3A_77 = arith.constant 0 : i32
    %dma_wait3A_78 = arith.constant 0 : i32
    %dma_wait3A_79 = tpu.memref_slice %arg6[%dma_wait3A_77, %dma_wait3A_78] : memref<32x768xf32, #tpu.memory_space<vmem>> -> memref<8x768xf32, #tpu.memory_space<vmem>>
    tpu.wait_dma2 semaphore(%arg9 : memref<!tpu.dma_semaphore, #tpu.memory_space<semaphore_mem>>) src(%dma_wait3A_79 : memref<8x768xf32, #tpu.memory_space<vmem>>) dst(%dma_wait3A_76 : memref<8x768xf32, #tpu.memory_space<hbm>>)
    %dma_wait3A_80 = arith.constant 0 : i32
    %dma_wait3A_81 = arith.constant 0 : i32
    %dma_wait3A_82 = tpu.memref_slice %arg6[%dma_wait3A_80, %dma_wait3A_81] : memref<32x768xf32, #tpu.memory_space<vmem>> -> memref<8x768xf32, #tpu.memory_space<vmem>>
    %dma_wait3A_83 = arith.constant 0 : i32
    %dma_wait3A_84 = tpu.memref_slice %arg4[%mul3A_2, %dma_wait3A_83] : memref<1024x768xf32, #tpu.memory_space<hbm>> -> memref<8x768xf32, #tpu.memory_space<hbm>>
    %dma_wait3A_85 = arith.constant 0 : i32
    %dma_wait3A_86 = tpu.memref_slice %arg4[%mul3A_2, %dma_wait3A_85] : memref<1024x768xf32, #tpu.memory_space<hbm>> -> memref<8x768xf32, #tpu.memory_space<hbm>>
    %dma_wait3A_87 = arith.constant 0 : i32
    %dma_wait3A_88 = arith.constant 0 : i32
    %dma_wait3A_89 = tpu.memref_slice %arg6[%dma_wait3A_87, %dma_wait3A_88] : memref<32x768xf32, #tpu.memory_space<vmem>> -> memref<8x768xf32, #tpu.memory_space<vmem>>
    tpu.wait_dma2 semaphore(%arg9 : memref<!tpu.dma_semaphore, #tpu.memory_space<semaphore_mem>>) src(%dma_wait3A_89 : memref<8x768xf32, #tpu.memory_space<vmem>>) dst(%dma_wait3A_86 : memref<8x768xf32, #tpu.memory_space<hbm>>)
    %dma_wait3A_90 = arith.constant 0 : i32
    %dma_wait3A_91 = arith.constant 0 : i32
    %dma_wait3A_92 = tpu.memref_slice %arg6[%dma_wait3A_90, %dma_wait3A_91] : memref<32x768xf32, #tpu.memory_space<vmem>> -> memref<8x768xf32, #tpu.memory_space<vmem>>
    %dma_wait3A_93 = arith.constant 0 : i32
    %dma_wait3A_94 = tpu.memref_slice %arg4[%mul3A_2, %dma_wait3A_93] : memref<1024x768xf32, #tpu.memory_space<hbm>> -> memref<8x768xf32, #tpu.memory_space<hbm>>
    %dma_wait3A_95 = arith.constant 0 : i32
    %dma_wait3A_96 = tpu.memref_slice %arg4[%mul3A_2, %dma_wait3A_95] : memref<1024x768xf32, #tpu.memory_space<hbm>> -> memref<8x768xf32, #tpu.memory_space<hbm>>
    %dma_wait3A_97 = arith.constant 0 : i32
    %dma_wait3A_98 = arith.constant 0 : i32
    %dma_wait3A_99 = tpu.memref_slice %arg6[%dma_wait3A_97, %dma_wait3A_98] : memref<32x768xf32, #tpu.memory_space<vmem>> -> memref<8x768xf32, #tpu.memory_space<vmem>>
    tpu.wait_dma2 semaphore(%arg9 : memref<!tpu.dma_semaphore, #tpu.memory_space<semaphore_mem>>) src(%dma_wait3A_99 : memref<8x768xf32, #tpu.memory_space<vmem>>) dst(%dma_wait3A_96 : memref<8x768xf32, #tpu.memory_space<hbm>>)
    return
  }
}

</mosaic_0001>

<sc_bundles>
// kernel: kernel.3.cloned.1.call-start
scs
__scs_entry_jumppad:
0x0: {  	(pc) =	sbr.rel $0x88, $3  }
0x1: {  	(tag) =	ssettag $0x0;
	lr =	simm.s32 $0x1  }
0x2: {  	[smem:$0x3F9F] =	sst lr;
	_ =	strace $0xD0000000  }
0x3: {  	_ = 	snop  }
0x4: {  	_ = 	snop  }
0x5: {  	_ = 	snop  }
0x6: {  	_ = 	snop  }
0x7: {  	_ = 	snop  }
__scs_overlays_trampoline_lowered:
0x8: {  	[smem:$0x3FAE] =	sst s0  }
0x9: {  	[smem:$0x3FAF] =	sst s1  }
0xa: {  	[smem:$0x3FB0] =	sst s2  }
0xb: {  	[smem:$0x3FB1] =	sst s3  }
0xc: {  	[smem:$0x3FB2] =	sst s4  }
0xd: {  	[smem:$0x3FB3] =	sst s5  }
0xe: {  	[smem:$0x3FB4] =	sst s6  }
0xf: {  	[smem:$0x3FB5] =	sst s7  }
0x10: {  	[smem:$0x3FB6] =	sst s8  }
0x11: {  	[smem:$0x3FB7] =	sst s9;
	s0 =	simm.s32 @!p0 $0x0  }
0x12: {  	s1 =	sld [smem:$0x3F9D];
	s0 =	simm.s32 @p0 $0x1  }
0x13: {  	[smem:$0x3FB8] =	sst s0;
	s0 =	simm.s32 @!p1 $0x0  }
0x14: {  	s2 =	sld [smem:$0x3F9C];
	s0 =	simm.s32 @p1 $0x1  }
0x15: {  	[smem:$0x3FB9] =	sst s0;
	s0 =	simm.s32 @!p2 $0x0  }
0x16: {  	s3 =	sld [smem:$0x3FDB];
	s0 =	simm.s32 @p2 $0x1  }
0x17: {  	s4 =	simm.s32 $0x1BF5;
	[smem:$0x3FBB] =	sst s0  }
0x18: {  	s0 =	sld [smem:$0x3F9E];
	_ =	swait.ge [sflag:s4], $0x0  }
0x19: {  	s7 =	sld [smem:$0x3F9F]  }
0x1a: {  	s8 =	sadd.s32 $0xFFFFE003, lr  }
0x1b: {  	s9 =	sadd.s32 $0xFFFFFEF7, lr;
	s5 =	simm.s32 $0xFFFFFFFF;
	p2 =	slt.u32 s8, $0xFFFFF086  }
0x1c: {  	p1 =	slt.u32 s9, $0xF7A;
	s5 =	simm.s32 @!p2 $0x0  }
0x1d: {  	s5 =	simm.s32 @p1 $0x1;
	p0 =	seq.s32 s7, s2  }
0x1e: {  	s7 =	smul.u32 @!p0 $0xF7A, s2;
	p2 =	seq.s32 @!p0 s5, $0x0  }
0x1f: {  	s9 =	smul.u32 $0xF7A, s1;
	s8 =	simm.s32 @!p0 $0x1BF5;
	p2 =	por !p2, p0  }
0x20: {  	[sflag:s8] =	ssyncset.s32 @!p0 $0xFFFFF086;
	s6 =	sadd.s32 @!p0 s3, s7;
	s7 =	simm.s32 @!p0 $0x108  }
0x21: {  	s3 =	sadd.s32 s3, s9;
	s6 =	sadd.s32 @!p0 $0x88, s6;
	s7 =	simm.s32 @p2 $0x1082  }
0x22: {  	[simem:s7], [sflag:s8] =	dma.local @!p0 [hbm:s6], $0xF7A  }
0x23: {  	s9 =	sor.u32 $0xD0000000, s2;
	s6 =	simm.s32 $0x108;
	_ =	swait.ge @!p0 [sflag:s8], $0x0  }
0x24: {  	s3 =	sadd.s32 $0x88, s3;
	s6 =	simm.s32 @!p1 $0x1082;
	[sflag:s4] =	ssyncset.s32 $0xFFFFF086  }
0x25: {  	[simem:s6], [sflag:s4] =	dma.local [hbm:s3], $0xF7A  }
0x26: {  	[smem:$0x3F9F] =	sst s1;
	(tag) =	ssettag s2;
	_ =	strace s9  }
0x27: {  	s1 =	sld [smem:$0x3FAF]  }
0x28: {  	s2 =	sld [smem:$0x3FB0]  }
0x29: {  	s4 =	sld [smem:$0x3FB2]  }
0x2a: {  	p0 =	seq.s32 s5, $0x0;
	s5 =	sld [smem:$0x3FB3]  }
0x2b: {  	s6 =	sld [smem:$0x3FB4]  }
0x2c: {  	s7 =	sld [smem:$0x3FB5]  }
0x2d: {  	s3 =	simm.s32 $0x108;
	s8 =	sld [smem:$0x3FB6]  }
0x2e: {  	s3 =	simm.s32 @!p0 $0x1082;
	s9 =	sld [smem:$0x3FB7]  }
0x2f: {  	lr =	sadd.s32 s0, s3;
	s0 =	sld [smem:$0x3FAE]  }
0x30: {  	s3 =	sld [smem:$0x3FB1]  }
0x31: {  	[smem:$0x3FBA] =	sst s10  }
0x32: {  	s10 =	sld [smem:$0x3FB8];
	_ =	sdelay $0x3  }
0x33: {  	p0 =	seq.s32 s10, $0x1;
	s10 =	sld [smem:$0x3FBA];
	_ =	sdelay $0x3  }
0x34: {  	[smem:$0x3FBA] =	sst s10  }
0x35: {  	s10 =	sld [smem:$0x3FB9];
	_ =	sdelay $0x3  }
0x36: {  	p1 =	seq.s32 s10, $0x1;
	s10 =	sld [smem:$0x3FBA];
	_ =	sdelay $0x3  }
0x37: {  	[smem:$0x3FBA] =	sst s10  }
0x38: {  	s10 =	sld [smem:$0x3FBB]  }
0x39: {  	_ = 	snop;
	(pc) =	sbr.ind lr, $3  }
0x3a: {  	_ = 	snop  }
0x3b: {  	_ = 	snop  }
0x3c: {  	p2 =	seq.s32 s10, $0x1;
	s10 =	sld [smem:$0x3FBA]  }
0x3d: {  	_ =	shalt  }
0x3e: {  	_ =	shalt  }
0x3f: {  	_ =	shalt  }
0x40: {  	_ =	shalt  }
0x41: {  	_ =	shalt  }
0x42: {  	_ =	shalt  }
0x43: {  	_ =	shalt  }
0x44: {  	_ =	shalt  }
0x45: {  	_ =	shalt  }
0x46: {  	_ =	shalt  }
0x47: {  	_ =	shalt  }
0x48: {  	_ =	shalt  }
0x49: {  	_ =	shalt  }
0x4a: {  	_ =	shalt  }
0x4b: {  	_ =	shalt  }
0x4c: {  	_ =	shalt  }
0x4d: {  	_ =	shalt  }
0x4e: {  	_ =	shalt  }
0x4f: {  	_ =	shalt  }
0x50: {  	_ =	shalt  }
0x51: {  	_ =	shalt  }
0x52: {  	_ =	shalt  }
0x53: {  	_ =	shalt  }
0x54: {  	_ =	shalt  }
0x55: {  	_ =	shalt  }
0x56: {  	_ =	shalt  }
0x57: {  	_ =	shalt  }
0x58: {  	_ =	shalt  }
0x59: {  	_ =	shalt  }
0x5a: {  	_ =	shalt  }
0x5b: {  	_ =	shalt  }
0x5c: {  	_ =	shalt  }
0x5d: {  	_ =	shalt  }
0x5e: {  	_ =	shalt  }
0x5f: {  	_ =	shalt  }
0x60: {  	_ =	shalt  }
0x61: {  	_ =	shalt  }
0x62: {  	_ =	shalt  }
0x63: {  	_ =	shalt  }
0x64: {  	_ =	shalt  }
0x65: {  	_ =	shalt  }
0x66: {  	_ =	shalt  }
0x67: {  	_ =	shalt  }
0x68: {  	_ =	shalt  }
0x69: {  	_ =	shalt  }
0x6a: {  	_ =	shalt  }
0x6b: {  	_ =	shalt  }
0x6c: {  	_ =	shalt  }
0x6d: {  	_ =	shalt  }
0x6e: {  	_ =	shalt  }
0x6f: {  	_ =	shalt  }
0x70: {  	_ =	shalt  }
0x71: {  	_ =	shalt  }
0x72: {  	_ =	shalt  }
0x73: {  	_ =	shalt  }
0x74: {  	_ =	shalt  }
0x75: {  	_ =	shalt  }
0x76: {  	_ =	shalt  }
0x77: {  	_ =	shalt  }
0x78: {  	_ =	shalt  }
0x79: {  	_ =	shalt  }
0x7a: {  	_ =	shalt  }
0x7b: {  	_ =	shalt  }
0x7c: {  	_ =	shalt  }
0x7d: {  	_ =	shalt  }
0x7e: {  	_ =	shalt  }
0x7f: {  	_ =	shalt  }
0x80: {  	_ =	shalt  }
0x81: {  	_ =	shalt  }
0x82: {  	_ =	shalt  }
0x83: {  	_ =	shalt  }
0x84: {  	_ =	shalt  }
0x85: {  	_ =	shalt  }
0x86: {  	_ =	shalt  }
0x87: {  	_ =	shalt  }
.Lfunc_end0:
.L_simem_size_0:
called_computation_lowered:
.L_overlay_start_0:
0x88: {  	s2 =	sld [smem:$0x3FD9]  }
0x89: {  	s3 =	sld [smem:$0x3FFE];
	_ =	sdelay $0x1  }
0x8a: {  	s1 =	srdreg.scid  }
0x8b: {  	s0 =	sand.u32 $0x1, s1  }
0x8c: {  	s17 =	sshll.u32 s0, $0xA;
	s2 =	sadd.s32 s3, s2  }
0x8d: {  	s2 =	sadd.s32 s2, s17  }
0x8e: {  	[smem:$0x3FC6] =	sst s2  }
0x8f: {  	_ = 	snop  }
0x90: {  	s2 =	sld [smem:$0x3FC9]  }
0x91: {  	s18 =	sld [smem:$0x3FD0];
	(tm) =	ssettm $0x1  }
0x92: {  	s4 =	sld [smem:$0x3FFB];
	_ =	sdelay $0x3  }
0x93: {  	_ =	strace s4  }
0x94: {  	s4 =	sld [smem:$0x3FFC];
	_ =	sdelay $0x3  }
0x95: {  	_ =	strace s4  }
0x96: {  	s4 =	sld [smem:$0x3FFD];
	_ =	sdelay $0x3  }
0x97: {  	_ =	strace s4  }
0x98: {  	_ =	strace $0x8FFFFFFF  }
0x99: {  	s19 =	sld [smem:$0x3FDB];
	_ =	sdelay $0x1  }
0x9a: {  	s5 =	simm.s32 $_scs_section_size  }
0x9b: {  	s6 =	simm.s32 $_size__tile_overlayer_lowered;
	s7 =	simm.s32 $_tile_overlayer_lowered  }
0x9c: {  	s22 =	simm.s32 $0x1BFF;
	s21 =	sshll.u32 s7, $0x1;
	s4 =	sadd.s32 s5, s19  }
0x9d: {  	s8 =	simm.s32 $0x0;
	s20 =	sshll.u32 s6, $0x1;
	s6 =	sadd.s32 s21, s4  }
0x9e: {  	[timem:s8], [sflag:s22] =	dma.local [hbm:s6], s20  }
0x9f: {  	_ =	swait.ge [sflag:s22], s20  }
0xa0: {  	s5 =	ssub.s32 $0x0, s20;
	[sflag:s22] =	ssyncset.done $0x0  }
0xa1: {  	[sflag:s22] =	ssyncadd.s32 s5;
	_ =	sdelay $0x1  }
0xa2: {  	s23 =	simm.s32 $0x1B8B  }
0xa3: {  	_ =	swait.ge [sflag:s23], $0x1  }
0xa4: {  	[sflag:s23] =	ssyncset.done $0x0  }
0xa5: {  	s25 =	simm.s32 $0x1B8E;
	s24 =	sld [smem:$0x3FFE];
	[sflag:s23] =	ssyncadd.s32 $0xFFFFFFFF  }
0xa6: {  	s26 =	simm.s32 $execute0_lowered;
	[smem:$0x3FD2] =	sst s25  }
0xa7: {  	s6 =	sshll.u32 s26, $0x1;
	_ =	strace $0x80000046;
	[dreg:$0x1] =	wrdreg $0xFFFFFFFF  }
0xa8: {  	s28 =	simm.s32 $_size_execute0_lowered;
	s4 =	sadd.s32 s4, s6;
	[dreg:$0x0] =	wrdreg $0x0  }
0xa9: {  	s6 =	sshll.u32 s28, $0x1;
	[dreg:$0x2] =	wrdreg s4  }
0xaa: {  	[dreg:$0x3] =	wrdreg s6  }
0xab: {  	[dreg:$0x4] =	wrdreg $0xC0  }
0xac: {  	_ =	task [dreg:s8], $0x5FFFF  }
0xad: {  	[dreg:$0x1] =	wrdreg $0xFFFFFFFF  }
0xae: {  	[dreg:$0x0] =	wrdreg $0x60  }
0xaf: {  	[dreg:$0x2] =	wrdreg s2  }
0xb0: {  	[dreg:$0x3] =	wrdreg s24  }
0xb1: {  	[dreg:$0x4] =	wrdreg s18  }
0xb2: {  	[dreg:$0x5] =	wrdreg $0x9  }
0xb3: {  	_ =	task.clear_ibuf [dreg:s8], $0x6FFFF;
	_ =	strace $0x90000046  }
0xb4: {  	s29 =	simm.s32 $0x9;
	_ =	strace $0x80000048  }
0xb5: {  	_ =	swait.ge [sflag:s29], $0x1  }
0xb6: {  	[sflag:s29] =	ssyncadd.s32 $0xFFFFFFFF  }
0xb7: {  	_ =	strace $0x90000048  }
0xb8: {  	_ =	sfence  }
0xb9: {  	s30 =	sld [smem:$0x0];
	_ =	sdelay $0x2  }
0xba: {  	s31 =	sshll.u32 s1, $0xD;
	s1 =	sshrl.u32 s1, $0x2  }
0xbb: {  	s3 =	sand.u32 $0x4000, s31;
	s1 =	sadd.s32 s1, s30  }
0xbc: {  	s0 =	sor.u32 s3, s0;
	s1 =	sshll.u32 s1, $0x11  }
0xbd: {  	s0 =	sor.u32 s1, s0  }
0xbe: {  	s0 =	sadd.s32 $0x8F2B, s0  }
0xbf: {  	[sflag:s0] =	ssyncadd.remote.s32 $0x1  }
0xc0: {  	_ =	sfence.sel $0xFFFF  }
0xc1: {  	[dreg:$0x0] =	wrdreg $0xFFFFFFFF;
	(pc) =	sbr.abs _section_cstart, $3  }
0xc2: {  	[dreg:$0x1] =	wrdreg $0xFFFFFFFF  }
0xc3: {  	_ =	task.clear_ibuf [dreg:s8], $0x2FFFF;
	_ =	strace $0x9FFFFFFF  }
0xc4: {  	(tm) =	ssettm $0x7FFFFFFF  }
0xc5: {  	_ =	shalt  }
tec
execute0_lowered:
.L_overlay_start_1:
0x0: {  	(tag) =	ssettag $0x1  }
0x1: {  	s0 =	rddreg [dreg:$0x0];
	s1 =	srdreg.scid  }
0x2: {  	s5 =	rddreg [dreg:$0x1];
	s3 =	stileid.u32;
	s1 =	sand.u32 $0x1, s1  }
0x3: {  	s2 =	rddreg [dreg:$0x2];
	s4 =	sshll.u32 s3, $0x3;
	s6 =	sshll.u32 s1, $0x2  }
0x4: {  	s3 =	simm.s32 $0x0;
	s1 =	ssub.s32 $0x2, s1;
	s4 =	sor.u32 s6, s4  }
0x5: {  	s5 =	sadd.s32 $0x400, s5;
	s28 =	sshrl.u32 s1, $0x1;
	s6 =	smul.u32 $0x1800, s4  }
0x6: {  	[smem:$0x7FF] =	sst s3;
	s7 =	smul.u32 $0x300, s4;
	s1 =	ssub.s32 s1, s28  }
0x7: {  	_ =	strace $0x80000047;
	[dreg:$0x4] =	wrdreg s5;
	s31 =	smax.u32 s1, $0x1  }
0x8: {  	s8 =	sshrl.u32 s6, $0x3;
	s29 =	sadd.s32 s0, s7;
	[dreg:$0x9] =	wrdreg s31  }
0x9: {  	s0 =	sadd.s32 s0, s8;
	[dreg:$0x5] =	wrdreg s29;
	s5 =	sadd.s32 $0x300, s29  }
0xa: {  	[dreg:$0x6] =	wrdreg s5;
	s30 =	sadd.s32 $0x600, s0  }
0xb: {  	s0 =	sadd.s32 $0x900, s0;
	[dreg:$0x7] =	wrdreg s30  }
0xc: {  	s16 =	simm.s32 $0x1;
	s18 =	simm.s32 $0x0;
	[dreg:$0x8] =	wrdreg s0  }
.LBB2_1:
0xd: {  	s0 =	rddreg [dreg:$0x4];
	s1 =	simm.s32 $0xC000;
	s23 =	simm.s32 $0x3  }
0xe: {  	[tilespmem:s1], [sflag:$0x3] =	stream.linear.gather [hbm4b:s0+s3], $0x80, $0x38;
	[tilespmem:$0xC080] =	vst v63  }
0xf: {  	_ =	swait.ge [sflag:s23], $0x80  }
0x10: {  	[sflag:s23] =	ssyncset.done $0x0  }
0x11: {  	s24 =	rddreg [dreg:$0x5];
	[sflag:s23] =	ssyncadd.s32 $0xFFFFFF80  }
0x12: {  	[tilespmem:s3], [sflag:$0x1] =	stream.linear.gather [hbm4b:s24+s3], $0x1800, $0x38;
	[tilespmem:$0xC080] =	vst v63  }
0x13: {  	s26 =	simm.s32 $0x1800;
	s25 =	rddreg [dreg:$0x6]  }
0x14: {  	[tilespmem:s26], [sflag:$0x1] =	stream.linear.gather [hbm4b:s25+s3], $0x1800, $0x38;
	[tilespmem:$0xC080] =	vst v63  }
0x15: {  	s29 =	simm.s32 $0x3000;
	s28 =	rddreg [dreg:$0x7]  }
0x16: {  	[tilespmem:s29], [sflag:$0x1] =	stream.linear.gather [hbm4b:s28+s3], $0x1800, $0x38;
	[tilespmem:$0xC080] =	vst v63  }
0x17: {  	s31 =	simm.s32 $0x4800;
	s30 =	rddreg [dreg:$0x8]  }
0x18: {  	[tilespmem:s31], [sflag:$0x1] =	stream.linear.gather [hbm4b:s30+s3], $0x1800, $0x38;
	[tilespmem:$0xC080] =	vst v63  }
0x19: {  	v0 =	vld [tilespmem:$0xC000];
	_ =	sdelay $0x4  }
0x1a: {  	v0 =	vand.u32 $0x7FFFFFFF, v0  }
0x1b: {  	v0 =	vadd.f32 $9.999999740e-06, v0;
	_ =	sdelay $0x1  }
0x1c: {  	(erf) = vrcp.f32 v0;
	_ =	sdelay $0x8  }
0x1d: {  	s19 =	simm.s32 $0x0;
	v1 =	vpop (erf)  }
.LBB2_2:
0x1e: {  	s0 =	simm.s32 $0x0;
	s1 =	simm.s32 $0x0;
	_ =	swait.ge [sflag:s16], $0x1800  }
0x1f: {  	s5 =	simm.s32 $0x0;
	s11 =	simm.s32 $0x0;
	s13 =	simm.s32 $0x30  }
0x20: {  	s14 =	sadd.s32 $0x0, s19;
	s15 =	simm.s32 $0x8;
	s22 =	sadd.s32 $0x0, s19  }
0x21: {  	s24 =	sadd.s32 $0x0, s19;
	s25 =	sadd.s32 $0x0, s19;
	s0 =	smul.u32 $0x1800, s0  }
0x22: {  	s20 =	simm.s32 $0x0;
	s6 =	simm.s32 $0x5;
	s11 =	smul.u32 $0x1800, s11  }
0x23: {  	s8 =	simm.s32 $0x0;
	s10 =	simm.s32 $0x10;
	s1 =	smul.u32 $0x1800, s1  }
0x24: {  	s12 =	simm.s32 $0x20;
	s14 =	smul.u32 $0x1800, s14;
	s11 =	ssub.s32 $0x180, s11  }
0x25: {  	[sflag:s16] =	ssyncset.done $0x0;
	s5 =	smul.u32 $0x1800, s5;
	s11 =	sand.u32 $0xFFFFFC00, s11  }
0x26: {  	s21 =	sand.u32 $0x380, s15;
	s23 =	smul.u32 $0x1800, s22;
	s11 =	sadd.s32 s14, s11  }
0x27: {  	s13 =	sand.u32 $0x70, s13;
	s26 =	smul.u32 $0x1800, s25;
	s11 =	sor.u32 s21, s11  }
0x28: {  	s20 =	sand.u32 $0x380, s20;
	[sflag:s16] =	ssyncadd.s32 $0xFFFFE800;
	s11 =	sor.u32 s13, s11  }
0x29: {  	s9 =	sand.u32 $0x380, s6;
	s1 =	ssub.s32 $0x0, s1;
	s5 =	ssub.s32 $0x80, s5;
	v2 =	vld [tilespmem:s11+$0x0]  }
0x2a: {  	s0 =	ssub.s32 $0x100, s0;
	s1 =	sand.u32 $0xFFFFFC00, s1;
	s5 =	sand.u32 $0xFFFFFC00, s5  }
0x2b: {  	s0 =	sand.u32 $0xFFFFFC00, s0;
	s14 =	smul.u32 $0x1800, s24;
	s1 =	sadd.s32 s23, s1  }
0x2c: {  	s0 =	sadd.s32 s26, s0;
	s21 =	simm.s32 $0x2;
	s1 =	sor.u32 s20, s1  }
0x2d: {  	s0 =	sor.u32 s9, s0;
	s7 =	sand.u32 $0x380, s21;
	s21 =	sand.u32 $0x40, s8  }
0x2e: {  	s20 =	sand.u32 $0x60, s12;
	s5 =	sadd.s32 s14, s5;
	s22 =	sor.u32 s21, s1;
	v3 =	vand.u32 $0x7FFFFFFF, v2  }
0x2f: {  	s17 =	sand.u32 $0x50, s10;
	s20 =	sor.u32 s20, s0;
	s5 =	sor.u32 s7, s5;
	v4 =	vld [tilespmem:s22+$0x0];
	v3 =	vmul.f32 v3, v1  }
0x30: {  	v9 =	vld [tilespmem:s20+$0x0];
	s21 =	sor.u32 s17, s5  }
0x31: {  	v7 =	vld [tilespmem:s21+$0x0];
	v5 =	vmin.f32 v3, $1.000000000e+00  }
0x32: {  	v5 =	vmax.f32 v5, $3.051757810e-05  }
0x33: {  	v6 =	vand.u32 $0x7F800000, v5  }
0x34: {  	s28 =	simm.s32 $0x300;
	v8 =	vand.u32 $0x7FFFFFFF, v4;
	v5 =	vsub.f32 v5, v6  }
0x35: {  	s29 =	simm.s32 $0x280;
	s30 =	simm.s32 $0x255A;
	s31 =	simm.s32 $0x70;
	v12 =	vand.u32 $0x7FFFFFFF, v9;
	v8 =	vmul.f32 v8, v1  }
0x36: {  	s25 =	simm.s32 $0x0;
	s6 =	simm.s32 $0x0;
	s23 =	simm.s32 $0x0;
	v11 =	vand.u32 $0x7FFFFFFF, v7;
	vm1 =	vlt.f32 v3, $1.525878910e-05;
	v10 =	vadd.s32 $0x400000, v5  }
0x37: {  	s24 =	simm.s32 $0x1558;
	s26 =	simm.s32 $0x0;
	s0 =	smul.u32 $0x1800, s23;
	vm0 =	vlt.f32 v5, $1.525878910e-05;
	v5 =	vmul.f32 v11, v1;
	v10 =	vand.u32 $0x7F800000, v10  }
0x38: {  	s9 =	simm.s32 $0x12;
	s12 =	sand.u32 $0x70, s31;
	s13 =	smul.u32 $0x1800, s6;
	v11 =	vmul.f32 v12, v1;
	v12 =	vmin.f32 v8, $1.000000000e+00;
	v10 =	vmax.f32 v10, $3.051757810e-05  }
0x39: {  	s10 =	sand.u32 $0x380, s9;
	s9 =	simm.s32 $0xA;
	s1 =	smul.u32 $0x1800, s25;
	vm13 =	vlt.f32 v8, $1.525878910e-05;
	v3 =	vmax.f32 v12, $3.051757810e-05;
	v10 =	vsel vm0, $0x0, v10  }
0x3a: {  	s7 =	sadd.s32 $0x0, s19;
	s0 =	ssub.s32 $0x200, s0;
	s8 =	ssub.s32 $0x380, s13;
	v8 =	vmin.f32 v5, $1.000000000e+00;
	v12 =	vand.u32 $0x7F800000, v3;
	v6 =	vadd.f32 v6, v10  }
0x3b: {  	s1 =	ssub.s32 $0x300, s1;
	s14 =	sand.u32 $0xFFFFFC00, s0;
	s0 =	smul.u32 $0x1800, s7;
	v8 =	vmax.f32 v8, $3.051757810e-05;
	v3 =	vsub.f32 v3, v12;
	v10 =	vmin.f32 v11, $1.000000000e+00  }
0x3c: {  	s25 =	simm.s32 $0x1AAE;
	s15 =	sand.u32 $0xFFFFFC00, s1;
	s1 =	sand.u32 $0xFFFFFC00, s8;
	v13 =	vand.u32 $0x7F800000, v8;
	v10 =	vmax.f32 v10, $3.051757810e-05;
	v6 =	vsel vm1, $0x0, v6  }
0x3d: {  	s9 =	sand.u32 $0x380, s9;
	s5 =	smul.u32 $0x1800, s26;
	s0 =	sadd.s32 s0, s1;
	v8 =	vsub.f32 v8, v13;
	v14 =	vand.u32 $0x7F800000, v10;
	v6 =	vmul.f32 v6, v0  }
0x3e: {  	s26 =	simm.s32 $0x200;
	s17 =	sadd.s32 $0x0, s19;
	v2 =	vand.u32 $0x80000000, v2;
	s0 =	sor.u32 s10, s0;
	vm14 =	vlt.f32 v5, $1.525878910e-05;
	v5 =	vsub.f32 v10, v14  }
0x3f: {  	s6 =	smul.u32 $0x1800, s17;
	s7 =	sadd.s32 $0x0, s19;
	s23 =	sor.u32 s12, s0;
	v10 =	vadd.s32 $0x400000, v8;
	v15 =	vor.u32 v6, v2;
	v2 =	vadd.s32 $0x400000, v3  }
0x40: {  	s17 =	simm.s32 $0x40;
	s5 =	ssub.s32 $0x280, s5;
	s7 =	smul.u32 $0x1800, s7;
	vm3 =	vlt.f32 v8, $1.525878910e-05;
	v8 =	vadd.s32 $0x400000, v5;
	v6 =	vand.u32 $0x7F800000, v2;
	v2 =	vld [tilespmem:s23+$0x0]  }
0x41: {  	s8 =	sadd.s32 $0x0, s19;
	s5 =	sand.u32 $0xFFFFFC00, s5;
	s1 =	simm.s32 $0x4;
	v9 =	vand.u32 $0x80000000, v9;
	vm2 =	vlt.f32 v3, $1.525878910e-05;
	v8 =	vand.u32 $0x7F800000, v8  }
0x42: {  	s13 =	sadd.s32 s6, s14;
	s8 =	smul.u32 $0x1800, s8;
	s6 =	simm.s32 $0x60;
	vm15 =	vlt.f32 v5, $1.525878910e-05;
	v3 =	vmax.f32 v6, $3.051757810e-05;
	v8 =	vmax.f32 v8, $3.051757810e-05  }
0x43: {  	s10 =	simm.s32 $0xD;
	s5 =	sadd.s32 s7, s5;
	s9 =	sor.u32 s9, s13;
	v6 =	vsel vm2, $0x0, v3;
	v3 =	vand.u32 $0x80000000, v4;
	v4 =	vand.u32 $0x7F800000, v10  }
0x44: {  	s0 =	simm.s32 $0x380;
	s12 =	simm.s32 $0x10;
	s14 =	sand.u32 $0x380, s10;
	v5 =	vsel vm15, $0x0, v8;
	v4 =	vmax.f32 v4, $3.051757810e-05;
	v10 =	vadd.f32 v12, v6  }
0x45: {  	s8 =	sadd.s32 s8, s15;
	s10 =	simm.s32 $0x50;
	s7 =	sand.u32 $0x380, s12;
	v5 =	vadd.f32 v14, v5;
	v4 =	vsel vm3, $0x0, v4;
	v8 =	vand.u32 $0x7FFFFFFF, v2  }
0x46: {  	s5 =	sor.u32 s14, s5;
	s12 =	sand.u32 $0x40, s17;
	s15 =	sand.u32 $0x50, s10;
	vm4 =	vlt.f32 v11, $1.525878910e-05;
	v4 =	vadd.f32 v13, v4;
	v6 =	vmul.f32 v8, v1  }
0x47: {  	s17 =	sand.u32 $0x60, s6;
	s7 =	sor.u32 s7, s8;
	s13 =	sor.u32 s12, s9;
	v11 =	vsel vm13, $0x0, v10;
	v5 =	vsel vm4, $0x0, v5;
	v8 =	vand.u32 $0x80000000, v7  }
0x48: {  	s14 =	sor.u32 s15, s5;
	s15 =	sor.u32 s17, s7;
	[tilespmem:s11+$0x6000] =	vst v15;
	s11 =	simm.s32 $0x355C;
	v7 =	vld [tilespmem:s13+$0x0];
	v11 =	vmul.f32 v11, v0;
	v10 =	vsel vm14, $0x0, v4;
	v12 =	vmin.f32 v6, $1.000000000e+00  }
.LBB2_3:
0x49: {  	s5 =	sshrl.u32 s11, $0x10;
	s24 =	sadd.s32 $0x1558, s24;
	s7 =	smov.u32 s20  }
0x4a: {  	v4 =	vld [tilespmem:s14+$0x0];
	v12 =	vmax.f32 v12, $3.051757810e-05;
	v10 =	vmul.f32 v10, v0;
	v13 =	vmul.f32 v5, v0;
	s20 =	smov.u32 s15;
	s25 =	sadd.s32 $0x1558, s25;
	s26 =	sadd.s32 $0x200, s26  }
0x4b: {  	s28 =	sadd.s32 $0x200, s28;
	s5 =	smul.u32 $0x1800, s5;
	s8 =	sshrl.u32 s24, $0x10;
	v5 =	vld [tilespmem:s20+$0x0];
	v14 =	vand.u32 $0x7F800000, v12;
	v3 =	vor.u32 v11, v3  }
0x4c: {  	s9 =	sshrl.u32 s25, $0x10;
	s8 =	smul.u32 $0x1800, s8;
	v11 =	vsub.f32 v12, v14;
	[tilespmem:s22+$0x6000] =	vst v3;
	v3 =	vor.u32 v10, v8;
	v8 =	vor.u32 v13, v9;
	s22 =	smov.u32 s13  }
0x4d: {  	s29 =	sadd.s32 $0x200, s29;
	s9 =	smul.u32 $0x1800, s9;
	[tilespmem:s21+$0x6000] =	vst v3;
	s21 =	smov.u32 s14  }
0x4e: {  	s30 =	sadd.s32 $0x1558, s30;
	s8 =	ssub.s32 s26, s8;
	v3 =	vand.u32 $0x80000000, v7;
	v7 =	vand.u32 $0x7FFFFFFF, v7;
	v9 =	vadd.s32 $0x400000, v11;
	[tilespmem:s7+$0x6000] =	vst v8  }
0x4f: {  	s5 =	ssub.s32 s28, s5;
	s7 =	ssub.s32 s29, s9;
	s15 =	sand.u32 $0xFFFFFC00, s8;
	v7 =	vmul.f32 v7, v1;
	v8 =	vand.u32 $0x7FFFFFFF, v4;
	v9 =	vand.u32 $0x7F800000, v9  }
0x50: {  	s1 =	sadd.s32 $0x4, s1;
	s13 =	sand.u32 $0xFFFFFC00, s5;
	vm0 =	vlt.f32 v11, $1.525878910e-05;
	s14 =	sand.u32 $0xFFFFFC00, s7;
	v10 =	vand.u32 $0x7FFFFFFF, v5;
	v9 =	vmax.f32 v9, $3.051757810e-05  }
0x51: {  	s0 =	sadd.s32 $0x200, s0;
	s5 =	sadd.s32 $0xFFFFEFFE, s30;
	s7 =	sshrl.u32 s30, $0x10;
	v8 =	vmul.f32 v8, v1;
	v10 =	vmul.f32 v10, v1;
	v9 =	vsel vm0, $0x0, v9  }
0x52: {  	p0 =	slt.u32 s1, $0x17C;
	s8 =	sshrl.u32 s30, $0x13;
	s7 =	smul.u32 $0x1800, s7;
	v11 =	vmin.f32 v7, $1.000000000e+00;
	vm0 =	vlt.f32 v7, $1.525878910e-05;
	v7 =	vadd.f32 v14, v9  }
0x53: {  	vm1 =	vlt.f32 v6, $1.525878910e-05;
	s31 =	sadd.s32 $0x40, s31;
	s9 =	sadd.s32 $0xFFFFF554, s30;
	s8 =	sadd.s32 s19, s8;
	v9 =	vmin.f32 v8, $1.000000000e+00;
	v12 =	vmin.f32 v10, $1.000000000e+00  }
0x54: {  	s10 =	sadd.s32 $0xFFFFFAAA, s30;
	s8 =	smul.u32 $0x1800, s8;
	s7 =	ssub.s32 s0, s7;
	v6 =	vmax.f32 v11, $3.051757810e-05;
	v9 =	vmax.f32 v9, $3.051757810e-05;
	v7 =	vsel vm1, $0x0, v7  }
0x55: {  	s12 =	sshrl.u32 s30, $0x9;
	s6 =	sshrl.u32 s5, $0x13;
	s7 =	sand.u32 $0xFFFFFC00, s7;
	v11 =	vand.u32 $0x7F800000, v6;
	v12 =	vmax.f32 v12, $3.051757810e-05;
	v7 =	vmul.f32 v7, v0  }
0x56: {  	v2 =	vand.u32 $0x80000000, v2;
	s17 =	sand.u32 $0x70, s31;
	s7 =	sadd.s32 s8, s7;
	s8 =	sand.u32 $0x380, s12;
	v13 =	vand.u32 $0x7F800000, v9;
	v14 =	vand.u32 $0x7F800000, v12  }
0x57: {  	s5 =	sshrl.u32 s5, $0x9;
	s12 =	sshrl.u32 s9, $0x13;
	v6 =	vsub.f32 v6, v11;
	s7 =	sor.u32 s8, s7;
	v9 =	vsub.f32 v9, v13;
	v2 =	vor.u32 v7, v2  }
0x58: {  	s6 =	sadd.s32 s19, s6;
	vm2 =	vlt.f32 v8, $1.525878910e-05;
	vm1 =	vlt.f32 v10, $1.525878910e-05;
	s8 =	sshrl.u32 s10, $0x13;
	v7 =	vsub.f32 v12, v14;
	[tilespmem:s23+$0x6000] =	vst v2;
	s23 =	sor.u32 s17, s7  }
0x59: {  	s6 =	smul.u32 $0x1800, s6;
	s8 =	sadd.s32 s19, s8;
	v8 =	vadd.s32 $0x400000, v6;
	vm3 =	vlt.f32 v6, $1.525878910e-05;
	v6 =	vadd.s32 $0x400000, v9;
	s7 =	sadd.s32 s19, s12;
	v2 =	vld [tilespmem:s23+$0x0]  }
0x5a: {  	s5 =	sand.u32 $0x380, s5;
	s9 =	sshrl.u32 s9, $0x9;
	v8 =	vand.u32 $0x7F800000, v8;
	v6 =	vand.u32 $0x7F800000, v6;
	s7 =	smul.u32 $0x1800, s7;
	v10 =	vadd.s32 $0x400000, v7  }
0x5b: {  	s6 =	sadd.s32 s6, s15;
	s10 =	sshrl.u32 s10, $0x9;
	s8 =	smul.u32 $0x1800, s8;
	v8 =	vmax.f32 v8, $3.051757810e-05;
	v6 =	vmax.f32 v6, $3.051757810e-05;
	v10 =	vand.u32 $0x7F800000, v10  }
0x5c: {  	s9 =	sand.u32 $0x380, s9;
	s10 =	sand.u32 $0x380, s10;
	vm4 =	vlt.f32 v9, $1.525878910e-05;
	vm5 =	vlt.f32 v7, $1.525878910e-05;
	s7 =	sadd.s32 s7, s14;
	v9 =	vmax.f32 v10, $3.051757810e-05  }
.Ltmp0:
0x5d: {  	s12 =	sadd.s32 $0xFFFFFFD0, s31;
	s8 =	sadd.s32 s8, s13;
	v7 =	vsel vm3, $0x0, v8;
	v6 =	vsel vm4, $0x0, v6;
	v9 =	vsel vm5, $0x0, v9;
	(pc) =	sbr.rel @p0 .LBB2_3-.Ltmp0, $4  }
0x5e: {  	s5 =	sor.u32 s5, s6;
	s6 =	sadd.s32 $0xFFFFFFE0, s31;
	v7 =	vadd.f32 v11, v7;
	s14 =	sadd.s32 $0xFFFFFFF0, s31;
	v10 =	vadd.f32 v13, v6;
	v8 =	vand.u32 $0x7FFFFFFF, v2  }
0x5f: {  	s12 =	sand.u32 $0x40, s12;
	s8 =	sor.u32 s10, s8;
	s7 =	sor.u32 s9, s7;
	v6 =	vmul.f32 v8, v1;
	v8 =	vand.u32 $0x80000000, v4;
	v4 =	vadd.f32 v14, v9  }
0x60: {  	s13 =	sor.u32 s12, s5;
	s5 =	sand.u32 $0x50, s6;
	s6 =	sand.u32 $0x60, s14;
	v11 =	vsel vm0, $0x0, v7;
	v10 =	vsel vm2, $0x0, v10;
	v9 =	vand.u32 $0x80000000, v5  }
0x61: {  	s11 =	sadd.s32 $0x1558, s11;
	s14 =	sor.u32 s5, s7;
	s15 =	sor.u32 s6, s8;
	v11 =	vmul.f32 v11, v0;
	v7 =	vld [tilespmem:s13+$0x0];
	v12 =	vmin.f32 v6, $1.000000000e+00;
	v5 =	vsel vm1, $0x0, v4  }
0x62: {  	v4 =	vld [tilespmem:s14+$0x0];
	v12 =	vmax.f32 v12, $3.051757810e-05  }
0x63: {  	v13 =	vld [tilespmem:s15+$0x0];
	v10 =	vmul.f32 v10, v0;
	v5 =	vmul.f32 v5, v0;
	v14 =	vand.u32 $0x7F800000, v12  }
0x64: {  	vm1 =	vlt.f32 v6, $1.525878910e-05;
	v2 =	vand.u32 $0x80000000, v2;
	v12 =	vsub.f32 v12, v14  }
0x65: {  	v3 =	vor.u32 v11, v3;
	v8 =	vor.u32 v10, v8;
	v5 =	vor.u32 v5, v9  }
0x66: {  	v47 =	vand.u32 $0x7FFFFFFF, v7;
	v48 =	vadd.s32 $0x400000, v12;
	vm0 =	vlt.f32 v12, $1.525878910e-05  }
0x67: {  	v11 =	vmul.f32 v47, v1;
	v15 =	vand.u32 $0x7FFFFFFF, v4;
	v10 =	vand.u32 $0x7F800000, v48  }
0x68: {  	v16 =	vand.u32 $0x7FFFFFFF, v13;
	v10 =	vmax.f32 v10, $3.051757810e-05;
	v49 =	vmul.f32 v15, v1  }
0x69: {  	v58 =	vand.u32 $0x80000000, v7;
	v50 =	vmul.f32 v16, v1;
	v10 =	vsel vm0, $0x0, v10  }
0x6a: {  	v51 =	vmin.f32 v11, $1.000000000e+00;
	vm13 =	vlt.f32 v11, $1.525878910e-05;
	v52 =	vmin.f32 v49, $1.000000000e+00  }
0x6b: {  	v16 =	vmin.f32 v50, $1.000000000e+00;
	v15 =	vmax.f32 v51, $3.051757810e-05;
	v11 =	vmax.f32 v52, $3.051757810e-05  }
0x6c: {  	v17 =	vand.u32 $0x7F800000, v15;
	v16 =	vmax.f32 v16, $3.051757810e-05;
	v18 =	vand.u32 $0x7F800000, v11  }
0x6d: {  	v19 =	vand.u32 $0x7F800000, v16;
	v15 =	vsub.f32 v15, v17;
	v11 =	vsub.f32 v11, v18  }
0x6e: {  	v10 =	vadd.f32 v14, v10;
	vm14 =	vlt.f32 v49, $1.525878910e-05;
	v53 =	vsub.f32 v16, v19  }
0x6f: {  	v54 =	vadd.s32 $0x400000, v15;
	vm2 =	vlt.f32 v15, $1.525878910e-05;
	v55 =	vadd.s32 $0x400000, v11  }
0x70: {  	vm3 =	vlt.f32 v11, $1.525878910e-05;
	v56 =	vand.u32 $0x7F800000, v54;
	vm4 =	vlt.f32 v53, $1.525878910e-05  }
0x71: {  	v6 =	vadd.s32 $0x400000, v53;
	v57 =	vand.u32 $0x7F800000, v55;
	v11 =	vmax.f32 v56, $3.051757810e-05  }
0x72: {  	v6 =	vand.u32 $0x7F800000, v6;
	v11 =	vsel vm2, $0x0, v11;
	v14 =	vmax.f32 v57, $3.051757810e-05  }
0x73: {  	v6 =	vmax.f32 v6, $3.051757810e-05;
	v11 =	vadd.f32 v17, v11;
	v14 =	vsel vm3, $0x0, v14  }
0x74: {  	v10 =	vsel vm1, $0x0, v10;
	v6 =	vsel vm4, $0x0, v6;
	v14 =	vadd.f32 v18, v14  }
0x75: {  	[tilespmem:s22+$0x6000] =	vst v3;
	v10 =	vmul.f32 v10, v0;
	v3 =	vadd.f32 v19, v6;
	v59 =	vsel vm13, $0x0, v11  }
0x76: {  	s0 =	smul.u32 $0x6000, s19;
	s1 =	sadd.s32 s4, s19;
	s19 =	sadd.s32 $0x1, s19;
	[tilespmem:s21+$0x6000] =	vst v8;
	vm15 =	vlt.f32 v50, $1.525878910e-05;
	v60 =	vsel vm14, $0x0, v14;
	v6 =	vmul.f32 v59, v0  }
0x77: {  	p0 =	sne.s32 s19, $0x4;
	[tilespmem:s20+$0x6000] =	vst v5;
	v2 =	vor.u32 v10, v2;
	v3 =	vsel vm15, $0x0, v3;
	v61 =	vmul.f32 v60, v0  }
.Ltmp1:
0x78: {  	[tilespmem:s23+$0x6000] =	vst v2;
	v2 =	vand.u32 $0x80000000, v4;
	v3 =	vmul.f32 v3, v0;
	v62 =	vor.u32 v6, v58;
	(pc) =	sbr.rel @p0 .LBB2_2-.Ltmp1, $4  }
0x79: {  	s1 =	smul.u32 $0x300, s1;
	v63 =	vand.u32 $0x80000000, v13;
	[tilespmem:s13+$0x6000] =	vst v62;
	v2 =	vor.u32 v61, v2  }
0x7a: {  	s0 =	sshra.s32 s0, $0x2;
	v3 =	vor.u32 v3, v63;
	[tilespmem:s14+$0x6000] =	vst v2  }
0x7b: {  	s0 =	sadd.s32 $0x6000, s0;
	s1 =	sadd.s32 s2, s1;
	[tilespmem:s15+$0x6000] =	vst v3  }
0x7c: {  	[hbm4b:s1+s3] =	stream.linear.scatter [tilespmem:s0], [sflag:$0x2], $0x1800, $0x38;
	[tilespmem:$0xC080] =	vst v63  }
0x7d: {  	s1 =	simm.s32 $0x2  }
0x7e: {  	_ =	swait.ge [sflag:s1], $0x1800  }
0x7f: {  	[sflag:s1] =	ssyncset.done $0x0  }
0x80: {  	[sflag:s1] =	ssyncadd.s32 $0xFFFFE800  }
0x81: {  	_ =	swait.ge [sflag:s1], $0x1800  }
0x82: {  	[sflag:s1] =	ssyncset.done $0x0  }
0x83: {  	[sflag:s1] =	ssyncadd.s32 $0xFFFFE800  }
0x84: {  	_ =	swait.ge [sflag:s1], $0x1800  }
0x85: {  	[sflag:s1] =	ssyncset.done $0x0  }
0x86: {  	[sflag:s1] =	ssyncadd.s32 $0xFFFFE800  }
0x87: {  	_ =	swait.ge [sflag:s1], $0x1800  }
0x88: {  	s18 =	sadd.s32 $0x1, s18;
	s0 =	rddreg [dreg:$0x9]  }
0x89: {  	p0 =	sne.s32 s18, s0  }
.Ltmp2:
0x8a: {  	_ = 	snop;
	(pc) =	sbr.rel @p0 .LBB2_1-.Ltmp2, $3  }
0x8b: {  	_ =	sdelay $0x1  }
0x8c: {  	[sflag:s1] =	ssyncset.done $0x0  }
0x8d: {  	[sflag:s1] =	ssyncadd.s32 $0xFFFFE800  }
0x8e: {  	_ =	sfence.sel $0x180000  }
0x8f: {  	[bflag:$0x0] =	sbarrier.arrive $0xFFFF  }
0x90: {  	_ =	strace $0x90000047  }
0x91: {  	s0 =	stileid.u32;
	[bflag:$0x2] =	sbarrier.arrive $0xFFFF  }
0x92: {  	p0 =	sne.s32 s0, $0x0;
	s0 =	rddreg [dreg:$0x3]  }
0x93: {  	s0 =	sadd.s32 @!p0 $0x100000, s0  }
0x94: {  	[sflag:s0] =	ssyncadd.tile.s32 @!p0 $0x1;
	_ =	shalt  }
.Lfunc_end2:
_tile_overlayer_lowered:
.L_overlay_start_2:
0x95: {  	(tag) =	ssettag $0x2  }
0x96: {  	s0 =	rddreg [dreg:$0x0];
	s2 =	stileid.u32  }
0x97: {  	s1 =	rddreg [dreg:$0x1];
	p0 =	sne.s32 s2, $0x0  }
0x98: {  	s3 =	rddreg [dreg:$0x2];
	[bflag:$0x3] =	sbarrier.arrive $0xFFFF;
	s2 =	simm.s32 @!p0 $0x1C03  }
0x99: {  	[timem:s3], [sflag:s2] =	dma.local @!p0 [hbm:s0], s1  }
0x9a: {  	s0 =	simm.s32 @!p0 $0x3  }
0x9b: {  	_ =	swait.ge @!p0 [sflag:s0], s1  }
0x9c: {  	s1 =	ssub.s32 @!p0 $0x0, s1;
	[sflag:s0] =	ssyncset.done @!p0 $0x0  }
0x9d: {  	[sflag:s0] =	ssyncadd.s32 @!p0 s1  }
0x9e: {  	[bflag:$0x3] =	sbarrier.arrive $0xFFFF  }
0x9f: {  	_ =	shalt  }

</sc_bundles>
